<compile_context>
chip_gen: v7x
topology: tpu7x:2x2x1
jax: 0.10.2.dev20260603
libtpu: 0.0.44.dev20260713+nightly
codegen_flags: <defaults>
</compile_context>

<pallas_src>
import jax
import jax.numpy as jnp
from jax import lax
from jax.experimental import pallas as pl
from jax.experimental.pallas import tpu as pltpu
from jax.experimental.pallas import tpu_sc as plsc

TABLE_ROWS = 16384
NUM_WORKERS = 32
TOTAL = 128 * 8192
CHUNK = 8192
NUM_CHUNKS = TOTAL // NUM_WORKERS // CHUNK
INNER = CHUNK // 16
UNROLL = 8


def _sc_body(idx_hbm, table_hbm, out_hbm, table_v, idx_v, out_v,
             sem_tab, sem_i0, sem_i1, sem_o0, sem_o1):
    c = lax.axis_index("c")
    s = lax.axis_index("s")
    wid = s * 2 + c
    rh = wid // 2
    th_w = (wid % 2) * 32

    tab_cp = pltpu.async_copy(table_hbm, table_v, sem_tab)
    pltpu.async_copy(idx_hbm.at[pl.ds(rh, 1), pl.ds(th_w, 8), :, :],
                     idx_v.at[pl.ds(0, 1)], sem_i0)
    pltpu.async_copy(idx_hbm.at[pl.ds(rh, 1), pl.ds(th_w + 8, 8), :, :],
                     idx_v.at[pl.ds(1, 1)], sem_i1)
    tab_cp.wait()

    def chunk_step(ci, carry):
        par = ci & 1
        th0 = th_w + ci * 8

        @pl.when(par == 0)
        def _():
            pltpu.make_async_copy(idx_hbm.at[pl.ds(0, 1), pl.ds(0, 8), :, :],
                                  idx_v.at[pl.ds(0, 1)], sem_i0).wait()

        @pl.when(par == 1)
        def _():
            pltpu.make_async_copy(idx_hbm.at[pl.ds(0, 1), pl.ds(0, 8), :, :],
                                  idx_v.at[pl.ds(1, 1)], sem_i1).wait()

        @pl.when(jnp.logical_and(ci >= 2, par == 0))
        def _():
            pltpu.make_async_copy(out_hbm.at[pl.ds(0, 8), pl.ds(0, 16), :],
                                  out_v.at[pl.ds(0, 8)], sem_o0).wait()

        @pl.when(jnp.logical_and(ci >= 2, par == 1))
        def _():
            pltpu.make_async_copy(out_hbm.at[pl.ds(0, 8), pl.ds(0, 16), :],
                                  out_v.at[pl.ds(8, 8)], sem_o1).wait()

        ob = par * 8

        @plsc.parallel_loop(0, INNER, unroll=UNROLL)
        def body(i):
            th_i = i >> 6
            rl = (i >> 3) & 7
            j = i & 7
            a = idx_v[par, th_i, rl, pl.ds(j * 16, 16)]
            ax = a + (a & jnp.int32(-128))
            x = plsc.load_gather(table_v, [ax])
            y = plsc.load_gather(table_v, [ax | 128])
            out_v[ob + rl, 2 * th_i, pl.ds(j * 16, 16)] = x
            out_v[ob + rl, 2 * th_i + 1, pl.ds(j * 16, 16)] = y

        dst = out_hbm.at[pl.ds(8 * rh, 8), pl.ds(2 * th0, 16), :]

        @pl.when(par == 0)
        def _():
            pltpu.async_copy(out_v.at[pl.ds(0, 8)], dst, sem_o0)

        @pl.when(par == 1)
        def _():
            pltpu.async_copy(out_v.at[pl.ds(8, 8)], dst, sem_o1)

        nxt_th = jnp.minimum(th0 + 16, 56)
        nxt = idx_hbm.at[pl.ds(rh, 1), pl.ds(nxt_th, 8), :, :]

        @pl.when(jnp.logical_and(ci + 2 < NUM_CHUNKS, par == 0))
        def _():
            pltpu.async_copy(nxt, idx_v.at[pl.ds(0, 1)], sem_i0)

        @pl.when(jnp.logical_and(ci + 2 < NUM_CHUNKS, par == 1))
        def _():
            pltpu.async_copy(nxt, idx_v.at[pl.ds(1, 1)], sem_i1)

        return carry

    lax.fori_loop(0, NUM_CHUNKS, chunk_step, 0)

    pltpu.make_async_copy(out_hbm.at[pl.ds(0, 8), pl.ds(0, 16), :],
                          out_v.at[pl.ds(0, 8)], sem_o0).wait()
    pltpu.make_async_copy(out_hbm.at[pl.ds(0, 8), pl.ds(0, 16), :],
                          out_v.at[pl.ds(8, 8)], sem_o1).wait()


@jax.jit
def _run(idx_p, table_p):
    mesh = plsc.VectorSubcoreMesh(core_axis_name="c", subcore_axis_name="s")
    fn = pl.kernel(
        _sc_body,
        mesh=mesh,
        out_type=jax.ShapeDtypeStruct((128, 128, 128), jnp.float32),
        scratch_types=[
            pltpu.VMEM((2 * TABLE_ROWS,), jnp.float32),
            pltpu.VMEM((2, 8, 8, 128), jnp.int32),
            pltpu.VMEM((16, 16, 128), jnp.float32),
            pltpu.SemaphoreType.DMA,
            pltpu.SemaphoreType.DMA,
            pltpu.SemaphoreType.DMA,
            pltpu.SemaphoreType.DMA,
            pltpu.SemaphoreType.DMA,
        ],
        compiler_params=pltpu.CompilerParams(needs_layout_passes=False),
    )
    return fn(idx_p, table_p)


def kernel(indices, hilbert_coords):
    idx_p = (indices.astype(jnp.int32)
             .reshape(16, 8, 64, 128).transpose(0, 2, 1, 3))
    table_p = (hilbert_coords.astype(jnp.float32)
               .reshape(128, 128, 2).transpose(0, 2, 1).reshape(-1))
    out_p = _run(idx_p, table_p)
    return (out_p.reshape(128, 64, 2, 128).transpose(0, 1, 3, 2)
            .reshape(128, 8192, 2))

# --- scband reference (transcript-rebuilt; emitter-appended) ---
"""Pipeline reference for scband-hilbert-curve-mapper-49340584297047 (READ-ONLY COPY).

The authoritative reference and input builder live on the scoring server;
editing this copy changes nothing except your own understanding.
"""

import jax, jax.numpy as jnp
import numpy as np

ORDER = 7
GRID = 2 ** ORDER
MAX_POSITIONS = GRID ** 2


def _hilbert_index_to_xy(index, order):
    x = y = 0
    s = 1
    for _ in range(order):
        rx = 1 & (index >> 1)
        ry = 1 & (index ^ rx)
        if ry == 0:
            if rx == 1:
                x = s - 1 - x
                y = s - 1 - y
            x, y = y, x
        x += s * rx
        y += s * ry
        index >>= 2
        s *= 2
    return x, y


def _generate_hilbert_coords(order):
    num_positions = 2 ** (2 * order)
    coords = np.zeros((num_positions, 2), dtype=np.int64)
    for i in range(num_positions):
        x, y = _hilbert_index_to_xy(i, order)
        coords[i, 0] = x
        coords[i, 1] = y
    grid_size = 2 ** order
    return (coords.astype(np.float32) / (grid_size - 1))


def setup_inputs(seed: int = 0) -> dict:
    key = jax.random.key(seed)
    k1, _ = jax.random.split(key)
    indices = jax.random.randint(k1, (128, 8192), 0, MAX_POSITIONS, dtype=jnp.int64 if jax.config.jax_enable_x64 else jnp.int32)
    hilbert_coords = jnp.asarray(_generate_hilbert_coords(ORDER))
    return {"indices": indices, "hilbert_coords": hilbert_coords}


def reference(indices, hilbert_coords):
    indices_clamped = jnp.clip(indices, 0, MAX_POSITIONS - 1)
    coords = jnp.take(hilbert_coords, indices_clamped, axis=0)
    return coords

if __name__ == "__main__":
    import jax
    _d = setup_inputs()
    print(jax.jit(kernel)(*tuple(_d.values())))

</pallas_src>

<mosaic_0001>
#map = affine_map<(d0, d1) -> (0, 0, 0, 0)>
#map1 = affine_map<(d0, d1) -> (0)>
#map2 = affine_map<(d0, d1) -> (0, 0, 0)>
module attributes {stable_mosaic.version = 14 : i64} {
  func.func @_sc_body(%arg0: i32, %arg1: i32, %arg2: memref<16x64x8x128xi32, #tpu.memory_space<hbm>>, %arg3: memref<32768xf32, #tpu.memory_space<hbm>>, %arg4: memref<128x128x128xf32, #tpu.memory_space<hbm>>, %arg5: memref<32768xf32, #tpu.memory_space<vmem>>, %arg6: memref<2x8x8x128xi32, #tpu.memory_space<vmem>>, %arg7: memref<16x16x128xf32, #tpu.memory_space<vmem>>, %arg8: memref<!tpu.dma_semaphore, #tpu.memory_space<semaphore_mem>>, %arg9: memref<!tpu.dma_semaphore, #tpu.memory_space<semaphore_mem>>, %arg10: memref<!tpu.dma_semaphore, #tpu.memory_space<semaphore_mem>>, %arg11: memref<!tpu.dma_semaphore, #tpu.memory_space<semaphore_mem>>, %arg12: memref<!tpu.dma_semaphore, #tpu.memory_space<semaphore_mem>>) attributes {dimension_semantics = [#tpu.dimension_semantics<core_parallel>, #tpu.dimension_semantics<subcore_parallel>], iteration_bounds = array<i64: 2, 16>, scalar_prefetch = 0 : i64, scratch_operands = 8 : i64, tpu.core_type = #tpu.core_type<sc_vector_subcore>, window_params = [{transform_indices = #map}, {transform_indices = #map1}, {transform_indices = #map2}]} {
    %mul3A = arith.constant 2 : i32
    %mul3A_0 = arith.muli %arg1, %mul3A : i32
    %add3A = arith.addi %mul3A_0, %arg0 : i32
    %jit3A = arith.constant 2 : i32
    %div3A = arith.divsi %add3A, %jit3A : i32
    %sign3A = arith.constant 0 : i32
    %sign3A_1 = arith.cmpi sgt, %add3A, %sign3A : i32
    %sign3A_2 = arith.extui %sign3A_1 : i1 to i32
    %sign3A_3 = arith.constant 0 : i32
    %sign3A_4 = arith.cmpi slt, %add3A, %sign3A_3 : i32
    %sign3A_5 = arith.extui %sign3A_4 : i1 to i32
    %sign3A_6 = arith.subi %sign3A_2, %sign3A_5 : i32
    %sign3A_7 = arith.constant 0 : i32
    %sign3A_8 = arith.cmpi sgt, %jit3A, %sign3A_7 : i32
    %sign3A_9 = arith.extui %sign3A_8 : i1 to i32
    %sign3A_10 = arith.constant 0 : i32
    %sign3A_11 = arith.cmpi slt, %jit3A, %sign3A_10 : i32
    %sign3A_12 = arith.extui %sign3A_11 : i1 to i32
    %sign3A_13 = arith.subi %sign3A_9, %sign3A_12 : i32
    %ne3A = arith.cmpi ne, %sign3A_6, %sign3A_13 : i32
    %rem3A = arith.remsi %add3A, %jit3A : i32
    %ne3A_14 = arith.constant 0 : i32
    %ne3A_15 = arith.cmpi ne, %rem3A, %ne3A_14 : i32
    %and3A = arith.andi %ne3A, %ne3A_15 : i1
    %sub3A = arith.constant 1 : i32
    %sub3A_16 = arith.subi %div3A, %sub3A : i32
    %select_n3A = arith.select %and3A, %sub3A_16, %div3A : i32
    %jit3A_17 = arith.constant 2 : i32
    %eq3A = arith.constant 0 : i32
    %eq3A_18 = arith.cmpi eq, %jit3A_17, %eq3A : i32
    %jit3A_19 = arith.constant 1 : i32
    %select_n3A_20 = arith.select %eq3A_18, %jit3A_19, %jit3A_17 : i32
    %rem3A_21 = arith.remsi %add3A, %select_n3A_20 : i32
    %ne3A_22 = arith.constant 0 : i32
    %ne3A_23 = arith.cmpi ne, %rem3A_21, %ne3A_22 : i32
    %lt3A = arith.constant 0 : i32
    %lt3A_24 = arith.cmpi slt, %rem3A_21, %lt3A : i32
    %lt3A_25 = arith.constant 0 : i32
    %lt3A_26 = arith.cmpi slt, %select_n3A_20, %lt3A_25 : i32
    %ne3A_27 = arith.xori %lt3A_24, %lt3A_26 : i1
    %and3A_28 = arith.andi %ne3A_27, %ne3A_23 : i1
    %add3A_29 = arith.addi %rem3A_21, %select_n3A_20 : i32
    %select_n3A_30 = arith.select %and3A_28, %add3A_29, %rem3A_21 : i32
    %mul3A_31 = arith.constant 32 : i32
    %mul3A_32 = arith.muli %select_n3A_30, %mul3A_31 : i32
    tpu.enqueue_dma source(%arg3 : memref<32768xf32, #tpu.memory_space<hbm>>) target(%arg5 : memref<32768xf32, #tpu.memory_space<vmem>>) target_semaphore(%arg8 : memref<!tpu.dma_semaphore, #tpu.memory_space<semaphore_mem>>)
    %dma_start3A = arith.constant 0 : i32
    %dma_start3A_33 = arith.constant 0 : i32
    %dma_start3A_34 = arith.constant 0 : i32
    %dma_start3A_35 = arith.constant 0 : i32
    %dma_start3A_36 = tpu.memref_slice %arg6[%dma_start3A, %dma_start3A_33, %dma_start3A_34, %dma_start3A_35] : memref<2x8x8x128xi32, #tpu.memory_space<vmem>> -> memref<1x8x8x128xi32, #tpu.memory_space<vmem>>
    %dma_start3A_37 = arith.constant 0 : i32
    %dma_start3A_38 = arith.constant 0 : i32
    %dma_start3A_39 = tpu.memref_slice %arg2[%select_n3A, %mul3A_32, %dma_start3A_37, %dma_start3A_38] : memref<16x64x8x128xi32, #tpu.memory_space<hbm>> -> memref<1x8x8x128xi32, #tpu.memory_space<hbm>>
    %dma_start3A_40 = arith.constant 0 : i32
    %dma_start3A_41 = arith.constant 0 : i32
    %dma_start3A_42 = arith.constant 0 : i32
    %dma_start3A_43 = arith.constant 0 : i32
    %dma_start3A_44 = tpu.memref_slice %arg6[%dma_start3A_40, %dma_start3A_41, %dma_start3A_42, %dma_start3A_43] : memref<2x8x8x128xi32, #tpu.memory_space<vmem>> -> memref<1x8x8x128xi32, #tpu.memory_space<vmem>>
    %dma_start3A_45 = arith.constant 0 : i32
    %dma_start3A_46 = arith.constant 0 : i32
    %dma_start3A_47 = tpu.memref_slice %arg2[%select_n3A, %mul3A_32, %dma_start3A_45, %dma_start3A_46] : memref<16x64x8x128xi32, #tpu.memory_space<hbm>> -> memref<1x8x8x128xi32, #tpu.memory_space<hbm>>
    tpu.enqueue_dma source(%dma_start3A_47 : memref<1x8x8x128xi32, #tpu.memory_space<hbm>>) target(%dma_start3A_44 : memref<1x8x8x128xi32, #tpu.memory_space<vmem>>) target_semaphore(%arg9 : memref<!tpu.dma_semaphore, #tpu.memory_space<semaphore_mem>>)
    %add3A_48 = arith.constant 8 : i32
    %add3A_49 = arith.addi %mul3A_32, %add3A_48 : i32
    %dma_start3A_50 = arith.constant 1 : i32
    %dma_start3A_51 = arith.constant 0 : i32
    %dma_start3A_52 = arith.constant 0 : i32
    %dma_start3A_53 = arith.constant 0 : i32
    %dma_start3A_54 = tpu.memref_slice %arg6[%dma_start3A_50, %dma_start3A_51, %dma_start3A_52, %dma_start3A_53] : memref<2x8x8x128xi32, #tpu.memory_space<vmem>> -> memref<1x8x8x128xi32, #tpu.memory_space<vmem>>
    %dma_start3A_55 = arith.constant 0 : i32
    %dma_start3A_56 = arith.constant 0 : i32
    %dma_start3A_57 = tpu.memref_slice %arg2[%select_n3A, %add3A_49, %dma_start3A_55, %dma_start3A_56] : memref<16x64x8x128xi32, #tpu.memory_space<hbm>> -> memref<1x8x8x128xi32, #tpu.memory_space<hbm>>
    %dma_start3A_58 = arith.constant 1 : i32
    %dma_start3A_59 = arith.constant 0 : i32
    %dma_start3A_60 = arith.constant 0 : i32
    %dma_start3A_61 = arith.constant 0 : i32
    %dma_start3A_62 = tpu.memref_slice %arg6[%dma_start3A_58, %dma_start3A_59, %dma_start3A_60, %dma_start3A_61] : memref<2x8x8x128xi32, #tpu.memory_space<vmem>> -> memref<1x8x8x128xi32, #tpu.memory_space<vmem>>
    %dma_start3A_63 = arith.constant 0 : i32
    %dma_start3A_64 = arith.constant 0 : i32
    %dma_start3A_65 = tpu.memref_slice %arg2[%select_n3A, %add3A_49, %dma_start3A_63, %dma_start3A_64] : memref<16x64x8x128xi32, #tpu.memory_space<hbm>> -> memref<1x8x8x128xi32, #tpu.memory_space<hbm>>
    tpu.enqueue_dma source(%dma_start3A_65 : memref<1x8x8x128xi32, #tpu.memory_space<hbm>>) target(%dma_start3A_62 : memref<1x8x8x128xi32, #tpu.memory_space<vmem>>) target_semaphore(%arg10 : memref<!tpu.dma_semaphore, #tpu.memory_space<semaphore_mem>>)
    tpu.wait_dma2 semaphore(%arg8 : memref<!tpu.dma_semaphore, #tpu.memory_space<semaphore_mem>>) src(%arg3 : memref<32768xf32, #tpu.memory_space<hbm>>) dst(%arg5 : memref<32768xf32, #tpu.memory_space<vmem>>)
    %scan3A = arith.constant 0 : i32
    %scan3A_66 = arith.constant 0 : i32
    %scan3A_67 = arith.constant 4 : i32
    %scan3A_68 = arith.addi %scan3A_66, %scan3A_67 : i32
    %scan3A_69 = arith.constant 1 : i32
    scf.for %scan3A_102 = %scan3A_66 to %scan3A_68 step %scan3A_69  : i32 {
      %and3A_103 = arith.constant 1 : i32
      %and3A_104 = arith.andi %scan3A_102, %and3A_103 : i32
      %mul3A_105 = arith.constant 8 : i32
      %mul3A_106 = arith.muli %scan3A_102, %mul3A_105 : i32
      %add3A_107 = arith.addi %mul3A_32, %mul3A_106 : i32
      %eq3A_108 = arith.constant 0 : i32
      %eq3A_109 = arith.cmpi eq, %and3A_104, %eq3A_108 : i32
      %convert_element_type3A = arith.extui %eq3A_109 : i1 to i32
      %cond3A = arith.constant 0 : i32
      %cond3A_110 = arith.cmpi ne, %convert_element_type3A, %cond3A : i32
      scf.if %cond3A_110 {
        %dma_wait3A_172 = arith.constant 0 : i32
        %dma_wait3A_173 = arith.constant 0 : i32
        %dma_wait3A_174 = arith.constant 0 : i32
        %dma_wait3A_175 = arith.constant 0 : i32
        %dma_wait3A_176 = tpu.memref_slice %arg6[%dma_wait3A_172, %dma_wait3A_173, %dma_wait3A_174, %dma_wait3A_175] : memref<2x8x8x128xi32, #tpu.memory_space<vmem>> -> memref<1x8x8x128xi32, #tpu.memory_space<vmem>>
        %dma_wait3A_177 = arith.constant 0 : i32
        %dma_wait3A_178 = arith.constant 0 : i32
        %dma_wait3A_179 = arith.constant 0 : i32
        %dma_wait3A_180 = arith.constant 0 : i32
        %dma_wait3A_181 = tpu.memref_slice %arg2[%dma_wait3A_177, %dma_wait3A_178, %dma_wait3A_179, %dma_wait3A_180] : memref<16x64x8x128xi32, #tpu.memory_space<hbm>> -> memref<1x8x8x128xi32, #tpu.memory_space<hbm>>
        %dma_wait3A_182 = arith.constant 0 : i32
        %dma_wait3A_183 = arith.constant 0 : i32
        %dma_wait3A_184 = arith.constant 0 : i32
        %dma_wait3A_185 = arith.constant 0 : i32
        %dma_wait3A_186 = tpu.memref_slice %arg6[%dma_wait3A_182, %dma_wait3A_183, %dma_wait3A_184, %dma_wait3A_185] : memref<2x8x8x128xi32, #tpu.memory_space<vmem>> -> memref<1x8x8x128xi32, #tpu.memory_space<vmem>>
        %dma_wait3A_187 = arith.constant 0 : i32
        %dma_wait3A_188 = arith.constant 0 : i32
        %dma_wait3A_189 = arith.constant 0 : i32
        %dma_wait3A_190 = arith.constant 0 : i32
        %dma_wait3A_191 = tpu.memref_slice %arg2[%dma_wait3A_187, %dma_wait3A_188, %dma_wait3A_189, %dma_wait3A_190] : memref<16x64x8x128xi32, #tpu.memory_space<hbm>> -> memref<1x8x8x128xi32, #tpu.memory_space<hbm>>
        tpu.wait_dma2 semaphore(%arg9 : memref<!tpu.dma_semaphore, #tpu.memory_space<semaphore_mem>>) src(%dma_wait3A_191 : memref<1x8x8x128xi32, #tpu.memory_space<hbm>>) dst(%dma_wait3A_186 : memref<1x8x8x128xi32, #tpu.memory_space<vmem>>)
      } else {
      }
      %eq3A_111 = arith.constant 1 : i32
      %eq3A_112 = arith.cmpi eq, %and3A_104, %eq3A_111 : i32
      %convert_element_type3A_113 = arith.extui %eq3A_112 : i1 to i32
      %cond3A_114 = arith.constant 0 : i32
      %cond3A_115 = arith.cmpi ne, %convert_element_type3A_113, %cond3A_114 : i32
      scf.if %cond3A_115 {
        %dma_wait3A_172 = arith.constant 1 : i32
        %dma_wait3A_173 = arith.constant 0 : i32
        %dma_wait3A_174 = arith.constant 0 : i32
        %dma_wait3A_175 = arith.constant 0 : i32
        %dma_wait3A_176 = tpu.memref_slice %arg6[%dma_wait3A_172, %dma_wait3A_173, %dma_wait3A_174, %dma_wait3A_175] : memref<2x8x8x128xi32, #tpu.memory_space<vmem>> -> memref<1x8x8x128xi32, #tpu.memory_space<vmem>>
        %dma_wait3A_177 = arith.constant 0 : i32
        %dma_wait3A_178 = arith.constant 0 : i32
        %dma_wait3A_179 = arith.constant 0 : i32
        %dma_wait3A_180 = arith.constant 0 : i32
        %dma_wait3A_181 = tpu.memref_slice %arg2[%dma_wait3A_177, %dma_wait3A_178, %dma_wait3A_179, %dma_wait3A_180] : memref<16x64x8x128xi32, #tpu.memory_space<hbm>> -> memref<1x8x8x128xi32, #tpu.memory_space<hbm>>
        %dma_wait3A_182 = arith.constant 1 : i32
        %dma_wait3A_183 = arith.constant 0 : i32
        %dma_wait3A_184 = arith.constant 0 : i32
        %dma_wait3A_185 = arith.constant 0 : i32
        %dma_wait3A_186 = tpu.memref_slice %arg6[%dma_wait3A_182, %dma_wait3A_183, %dma_wait3A_184, %dma_wait3A_185] : memref<2x8x8x128xi32, #tpu.memory_space<vmem>> -> memref<1x8x8x128xi32, #tpu.memory_space<vmem>>
        %dma_wait3A_187 = arith.constant 0 : i32
        %dma_wait3A_188 = arith.constant 0 : i32
        %dma_wait3A_189 = arith.constant 0 : i32
        %dma_wait3A_190 = arith.constant 0 : i32
        %dma_wait3A_191 = tpu.memref_slice %arg2[%dma_wait3A_187, %dma_wait3A_188, %dma_wait3A_189, %dma_wait3A_190] : memref<16x64x8x128xi32, #tpu.memory_space<hbm>> -> memref<1x8x8x128xi32, #tpu.memory_space<hbm>>
        tpu.wait_dma2 semaphore(%arg10 : memref<!tpu.dma_semaphore, #tpu.memory_space<semaphore_mem>>) src(%dma_wait3A_191 : memref<1x8x8x128xi32, #tpu.memory_space<hbm>>) dst(%dma_wait3A_186 : memref<1x8x8x128xi32, #tpu.memory_space<vmem>>)
      } else {
      }
      %ge3A = arith.constant 2 : i32
      %ge3A_116 = arith.cmpi sge, %scan3A_102, %ge3A : i32
      %eq3A_117 = arith.constant 0 : i32
      %eq3A_118 = arith.cmpi eq, %and3A_104, %eq3A_117 : i32
      %and3A_119 = arith.andi %ge3A_116, %eq3A_118 : i1
      %convert_element_type3A_120 = arith.extui %and3A_119 : i1 to i32
      %cond3A_121 = arith.constant 0 : i32
      %cond3A_122 = arith.cmpi ne, %convert_element_type3A_120, %cond3A_121 : i32
      scf.if %cond3A_122 {
        %dma_wait3A_172 = arith.constant 0 : i32
        %dma_wait3A_173 = arith.constant 0 : i32
        %dma_wait3A_174 = arith.constant 0 : i32
        %dma_wait3A_175 = tpu.memref_slice %arg7[%dma_wait3A_172, %dma_wait3A_173, %dma_wait3A_174] : memref<16x16x128xf32, #tpu.memory_space<vmem>> -> memref<8x16x128xf32, #tpu.memory_space<vmem>>
        %dma_wait3A_176 = arith.constant 0 : i32
        %dma_wait3A_177 = arith.constant 0 : i32
        %dma_wait3A_178 = arith.constant 0 : i32
        %dma_wait3A_179 = tpu.memref_slice %arg4[%dma_wait3A_176, %dma_wait3A_177, %dma_wait3A_178] : memref<128x128x128xf32, #tpu.memory_space<hbm>> -> memref<8x16x128xf32, #tpu.memory_space<hbm>>
        %dma_wait3A_180 = arith.constant 0 : i32
        %dma_wait3A_181 = arith.constant 0 : i32
        %dma_wait3A_182 = arith.constant 0 : i32
        %dma_wait3A_183 = tpu.memref_slice %arg7[%dma_wait3A_180, %dma_wait3A_181, %dma_wait3A_182] : memref<16x16x128xf32, #tpu.memory_space<vmem>> -> memref<8x16x128xf32, #tpu.memory_space<vmem>>
        %dma_wait3A_184 = arith.constant 0 : i32
        %dma_wait3A_185 = arith.constant 0 : i32
        %dma_wait3A_186 = arith.constant 0 : i32
        %dma_wait3A_187 = tpu.memref_slice %arg4[%dma_wait3A_184, %dma_wait3A_185, %dma_wait3A_186] : memref<128x128x128xf32, #tpu.memory_space<hbm>> -> memref<8x16x128xf32, #tpu.memory_space<hbm>>
        tpu.wait_dma2 semaphore(%arg11 : memref<!tpu.dma_semaphore, #tpu.memory_space<semaphore_mem>>) src(%dma_wait3A_187 : memref<8x16x128xf32, #tpu.memory_space<hbm>>) dst(%dma_wait3A_183 : memref<8x16x128xf32, #tpu.memory_space<vmem>>)
      } else {
      }
      %ge3A_123 = arith.constant 2 : i32
      %ge3A_124 = arith.cmpi sge, %scan3A_102, %ge3A_123 : i32
      %eq3A_125 = arith.constant 1 : i32
      %eq3A_126 = arith.cmpi eq, %and3A_104, %eq3A_125 : i32
      %and3A_127 = arith.andi %ge3A_124, %eq3A_126 : i1
      %convert_element_type3A_128 = arith.extui %and3A_127 : i1 to i32
      %cond3A_129 = arith.constant 0 : i32
      %cond3A_130 = arith.cmpi ne, %convert_element_type3A_128, %cond3A_129 : i32
      scf.if %cond3A_130 {
        %dma_wait3A_172 = arith.constant 8 : i32
        %dma_wait3A_173 = arith.constant 0 : i32
        %dma_wait3A_174 = arith.constant 0 : i32
        %dma_wait3A_175 = tpu.memref_slice %arg7[%dma_wait3A_172, %dma_wait3A_173, %dma_wait3A_174] : memref<16x16x128xf32, #tpu.memory_space<vmem>> -> memref<8x16x128xf32, #tpu.memory_space<vmem>>
        %dma_wait3A_176 = arith.constant 0 : i32
        %dma_wait3A_177 = arith.constant 0 : i32
        %dma_wait3A_178 = arith.constant 0 : i32
        %dma_wait3A_179 = tpu.memref_slice %arg4[%dma_wait3A_176, %dma_wait3A_177, %dma_wait3A_178] : memref<128x128x128xf32, #tpu.memory_space<hbm>> -> memref<8x16x128xf32, #tpu.memory_space<hbm>>
        %dma_wait3A_180 = arith.constant 8 : i32
        %dma_wait3A_181 = arith.constant 0 : i32
        %dma_wait3A_182 = arith.constant 0 : i32
        %dma_wait3A_183 = tpu.memref_slice %arg7[%dma_wait3A_180, %dma_wait3A_181, %dma_wait3A_182] : memref<16x16x128xf32, #tpu.memory_space<vmem>> -> memref<8x16x128xf32, #tpu.memory_space<vmem>>
        %dma_wait3A_184 = arith.constant 0 : i32
        %dma_wait3A_185 = arith.constant 0 : i32
        %dma_wait3A_186 = arith.constant 0 : i32
        %dma_wait3A_187 = tpu.memref_slice %arg4[%dma_wait3A_184, %dma_wait3A_185, %dma_wait3A_186] : memref<128x128x128xf32, #tpu.memory_space<hbm>> -> memref<8x16x128xf32, #tpu.memory_space<hbm>>
        tpu.wait_dma2 semaphore(%arg12 : memref<!tpu.dma_semaphore, #tpu.memory_space<semaphore_mem>>) src(%dma_wait3A_187 : memref<8x16x128xf32, #tpu.memory_space<hbm>>) dst(%dma_wait3A_183 : memref<8x16x128xf32, #tpu.memory_space<vmem>>)
      } else {
      }
      %mul3A_131 = arith.constant 8 : i32
      %mul3A_132 = arith.muli %and3A_104, %mul3A_131 : i32
      %parallel_loop3A = arith.constant 0 : i32
      %parallel_loop3A_133 = arith.constant 512 : i32
      %parallel_loop3A_134 = arith.constant 1 : i32
      scf.for %parallel_loop3A_172 = %parallel_loop3A to %parallel_loop3A_133 step %parallel_loop3A_134  : i32 {
        %parallel_loop3A_173 = arith.constant 6 : i32
        %parallel_loop3A_174 = arith.shrsi %parallel_loop3A_172, %parallel_loop3A_173 : i32
        %parallel_loop3A_175 = arith.constant 3 : i32
        %parallel_loop3A_176 = arith.shrsi %parallel_loop3A_172, %parallel_loop3A_175 : i32
        %parallel_loop3A_177 = arith.constant 7 : i32
        %parallel_loop3A_178 = arith.andi %parallel_loop3A_176, %parallel_loop3A_177 : i32
        %parallel_loop3A_179 = arith.constant 7 : i32
        %parallel_loop3A_180 = arith.andi %parallel_loop3A_172, %parallel_loop3A_179 : i32
        %parallel_loop3A_181 = arith.constant 16 : i32
        %parallel_loop3A_182 = arith.muli %parallel_loop3A_180, %parallel_loop3A_181 : i32
        %parallel_loop3A_183 = arith.index_cast %and3A_104 : i32 to index
        %parallel_loop3A_184 = arith.index_cast %parallel_loop3A_174 : i32 to index
        %parallel_loop3A_185 = arith.index_cast %parallel_loop3A_178 : i32 to index
        %parallel_loop3A_186 = arith.index_cast %parallel_loop3A_182 : i32 to index
        %parallel_loop3A_187 = tpu.vector_load %arg6[%parallel_loop3A_183, %parallel_loop3A_184, %parallel_loop3A_185, %parallel_loop3A_186] {strides = array<i32>} : memref<2x8x8x128xi32, #tpu.memory_space<vmem>>, vector<16xi32>,
        %parallel_loop3A_188 = arith.constant -128 : i32
        %parallel_loop3A_189 = vector.broadcast %parallel_loop3A_188 : i32 to vector<16xi32>
        %parallel_loop3A_190 = arith.andi %parallel_loop3A_187, %parallel_loop3A_189 : vector<16xi32>
        %parallel_loop3A_191 = arith.addi %parallel_loop3A_187, %parallel_loop3A_190 : vector<16xi32>
        %parallel_loop3A_192 = tpu.vector_load_idx %arg5[%parallel_loop3A_191] : memref<32768xf32, #tpu.memory_space<vmem>>[vector<16xi32>], vector<16xf32>,
        %parallel_loop3A_193 = arith.constant 128 : i32
        %parallel_loop3A_194 = vector.broadcast %parallel_loop3A_193 : i32 to vector<16xi32>
        %parallel_loop3A_195 = arith.ori %parallel_loop3A_191, %parallel_loop3A_194 : vector<16xi32>
        %parallel_loop3A_196 = tpu.vector_load_idx %arg5[%parallel_loop3A_195] : memref<32768xf32, #tpu.memory_space<vmem>>[vector<16xi32>], vector<16xf32>,
        %parallel_loop3A_197 = arith.addi %mul3A_132, %parallel_loop3A_178 : i32
        %parallel_loop3A_198 = arith.constant 2 : i32
        %parallel_loop3A_199 = arith.muli %parallel_loop3A_198, %parallel_loop3A_174 : i32
        %parallel_loop3A_200 = arith.constant 16 : i32
        %parallel_loop3A_201 = arith.muli %parallel_loop3A_180, %parallel_loop3A_200 : i32
        %parallel_loop3A_202 = arith.index_cast %parallel_loop3A_197 : i32 to index
        %parallel_loop3A_203 = arith.index_cast %parallel_loop3A_199 : i32 to index
        %parallel_loop3A_204 = arith.index_cast %parallel_loop3A_201 : i32 to index
        %parallel_loop3A_205 = tpu.vector_load %arg7[%parallel_loop3A_202, %parallel_loop3A_203, %parallel_loop3A_204] {strides = array<i32>} : memref<16x16x128xf32, #tpu.memory_space<vmem>>, vector<16xf32>,
        tpu.vector_store %arg7[%parallel_loop3A_202, %parallel_loop3A_203, %parallel_loop3A_204], %parallel_loop3A_192 {strides = array<i32>} : memref<16x16x128xf32, #tpu.memory_space<vmem>>, vector<16xf32>,
        %parallel_loop3A_206 = arith.addi %mul3A_132, %parallel_loop3A_178 : i32
        %parallel_loop3A_207 = arith.constant 2 : i32
        %parallel_loop3A_208 = arith.muli %parallel_loop3A_207, %parallel_loop3A_174 : i32
        %parallel_loop3A_209 = arith.constant 1 : i32
        %parallel_loop3A_210 = arith.addi %parallel_loop3A_208, %parallel_loop3A_209 : i32
        %parallel_loop3A_211 = arith.constant 16 : i32
        %parallel_loop3A_212 = arith.muli %parallel_loop3A_180, %parallel_loop3A_211 : i32
        %parallel_loop3A_213 = arith.index_cast %parallel_loop3A_206 : i32 to index
        %parallel_loop3A_214 = arith.index_cast %parallel_loop3A_210 : i32 to index
        %parallel_loop3A_215 = arith.index_cast %parallel_loop3A_212 : i32 to index
        %parallel_loop3A_216 = tpu.vector_load %arg7[%parallel_loop3A_213, %parallel_loop3A_214, %parallel_loop3A_215] {strides = array<i32>} : memref<16x16x128xf32, #tpu.memory_space<vmem>>, vector<16xf32>,
        tpu.vector_store %arg7[%parallel_loop3A_213, %parallel_loop3A_214, %parallel_loop3A_215], %parallel_loop3A_196 {strides = array<i32>} : memref<16x16x128xf32, #tpu.memory_space<vmem>>, vector<16xf32>,
      } {sc.loop_unroll_factor = 8 : i64, sc.parallel_access}
      %mul3A_135 = arith.constant 8 : i32
      %mul3A_136 = arith.muli %mul3A_135, %select_n3A : i32
      %mul3A_137 = arith.constant 2 : i32
      %mul3A_138 = arith.muli %mul3A_137, %add3A_107 : i32
      %eq3A_139 = arith.constant 0 : i32
      %eq3A_140 = arith.cmpi eq, %and3A_104, %eq3A_139 : i32
      %convert_element_type3A_141 = arith.extui %eq3A_140 : i1 to i32
      %cond3A_142 = arith.constant 0 : i32
      %cond3A_143 = arith.cmpi ne, %convert_element_type3A_141, %cond3A_142 : i32
      scf.if %cond3A_143 {
        %dma_start3A_172 = arith.constant 0 : i32
        %dma_start3A_173 = arith.constant 0 : i32
        %dma_start3A_174 = arith.constant 0 : i32
        %dma_start3A_175 = tpu.memref_slice %arg7[%dma_start3A_172, %dma_start3A_173, %dma_start3A_174] : memref<16x16x128xf32, #tpu.memory_space<vmem>> -> memref<8x16x128xf32, #tpu.memory_space<vmem>>
        %dma_start3A_176 = arith.constant 0 : i32
        %dma_start3A_177 = tpu.memref_slice %arg4[%mul3A_136, %mul3A_138, %dma_start3A_176] : memref<128x128x128xf32, #tpu.memory_space<hbm>> -> memref<8x16x128xf32, #tpu.memory_space<hbm>>
        %dma_start3A_178 = arith.constant 0 : i32
        %dma_start3A_179 = tpu.memref_slice %arg4[%mul3A_136, %mul3A_138, %dma_start3A_178] : memref<128x128x128xf32, #tpu.memory_space<hbm>> -> memref<8x16x128xf32, #tpu.memory_space<hbm>>
        %dma_start3A_180 = arith.constant 0 : i32
        %dma_start3A_181 = arith.constant 0 : i32
        %dma_start3A_182 = arith.constant 0 : i32
        %dma_start3A_183 = tpu.memref_slice %arg7[%dma_start3A_180, %dma_start3A_181, %dma_start3A_182] : memref<16x16x128xf32, #tpu.memory_space<vmem>> -> memref<8x16x128xf32, #tpu.memory_space<vmem>>
        tpu.enqueue_dma source(%dma_start3A_183 : memref<8x16x128xf32, #tpu.memory_space<vmem>>) target(%dma_start3A_179 : memref<8x16x128xf32, #tpu.memory_space<hbm>>) target_semaphore(%arg11 : memref<!tpu.dma_semaphore, #tpu.memory_space<semaphore_mem>>)
      } else {
      }
      %eq3A_144 = arith.constant 1 : i32
      %eq3A_145 = arith.cmpi eq, %and3A_104, %eq3A_144 : i32
      %convert_element_type3A_146 = arith.extui %eq3A_145 : i1 to i32
      %cond3A_147 = arith.constant 0 : i32
      %cond3A_148 = arith.cmpi ne, %convert_element_type3A_146, %cond3A_147 : i32
      scf.if %cond3A_148 {
        %dma_start3A_172 = arith.constant 8 : i32
        %dma_start3A_173 = arith.constant 0 : i32
        %dma_start3A_174 = arith.constant 0 : i32
        %dma_start3A_175 = tpu.memref_slice %arg7[%dma_start3A_172, %dma_start3A_173, %dma_start3A_174] : memref<16x16x128xf32, #tpu.memory_space<vmem>> -> memref<8x16x128xf32, #tpu.memory_space<vmem>>
        %dma_start3A_176 = arith.constant 0 : i32
        %dma_start3A_177 = tpu.memref_slice %arg4[%mul3A_136, %mul3A_138, %dma_start3A_176] : memref<128x128x128xf32, #tpu.memory_space<hbm>> -> memref<8x16x128xf32, #tpu.memory_space<hbm>>
        %dma_start3A_178 = arith.constant 0 : i32
        %dma_start3A_179 = tpu.memref_slice %arg4[%mul3A_136, %mul3A_138, %dma_start3A_178] : memref<128x128x128xf32, #tpu.memory_space<hbm>> -> memref<8x16x128xf32, #tpu.memory_space<hbm>>
        %dma_start3A_180 = arith.constant 8 : i32
        %dma_start3A_181 = arith.constant 0 : i32
        %dma_start3A_182 = arith.constant 0 : i32
        %dma_start3A_183 = tpu.memref_slice %arg7[%dma_start3A_180, %dma_start3A_181, %dma_start3A_182] : memref<16x16x128xf32, #tpu.memory_space<vmem>> -> memref<8x16x128xf32, #tpu.memory_space<vmem>>
        tpu.enqueue_dma source(%dma_start3A_183 : memref<8x16x128xf32, #tpu.memory_space<vmem>>) target(%dma_start3A_179 : memref<8x16x128xf32, #tpu.memory_space<hbm>>) target_semaphore(%arg12 : memref<!tpu.dma_semaphore, #tpu.memory_space<semaphore_mem>>)
      } else {
      }
      %add3A_149 = arith.constant 16 : i32
      %add3A_150 = arith.addi %add3A_107, %add3A_149 : i32
      %min3A = arith.constant 56 : i32
      %min3A_151 = arith.minsi %add3A_150, %min3A : i32
      %add3A_152 = arith.constant 2 : i32
      %add3A_153 = arith.addi %scan3A_102, %add3A_152 : i32
      %lt3A_154 = arith.constant 4 : i32
      %lt3A_155 = arith.cmpi slt, %add3A_153, %lt3A_154 : i32
      %eq3A_156 = arith.constant 0 : i32
      %eq3A_157 = arith.cmpi eq, %and3A_104, %eq3A_156 : i32
      %and3A_158 = arith.andi %lt3A_155, %eq3A_157 : i1
      %convert_element_type3A_159 = arith.extui %and3A_158 : i1 to i32
      %cond3A_160 = arith.constant 0 : i32
      %cond3A_161 = arith.cmpi ne, %convert_element_type3A_159, %cond3A_160 : i32
      scf.if %cond3A_161 {
        %dma_start3A_172 = arith.constant 0 : i32
        %dma_start3A_173 = arith.constant 0 : i32
        %dma_start3A_174 = arith.constant 0 : i32
        %dma_start3A_175 = arith.constant 0 : i32
        %dma_start3A_176 = tpu.memref_slice %arg6[%dma_start3A_172, %dma_start3A_173, %dma_start3A_174, %dma_start3A_175] : memref<2x8x8x128xi32, #tpu.memory_space<vmem>> -> memref<1x8x8x128xi32, #tpu.memory_space<vmem>>
        %dma_start3A_177 = arith.constant 0 : i32
        %dma_start3A_178 = arith.constant 0 : i32
        %dma_start3A_179 = tpu.memref_slice %arg2[%select_n3A, %min3A_151, %dma_start3A_177, %dma_start3A_178] : memref<16x64x8x128xi32, #tpu.memory_space<hbm>> -> memref<1x8x8x128xi32, #tpu.memory_space<hbm>>
        %dma_start3A_180 = arith.constant 0 : i32
        %dma_start3A_181 = arith.constant 0 : i32
        %dma_start3A_182 = arith.constant 0 : i32
        %dma_start3A_183 = arith.constant 0 : i32
        %dma_start3A_184 = tpu.memref_slice %arg6[%dma_start3A_180, %dma_start3A_181, %dma_start3A_182, %dma_start3A_183] : memref<2x8x8x128xi32, #tpu.memory_space<vmem>> -> memref<1x8x8x128xi32, #tpu.memory_space<vmem>>
        %dma_start3A_185 = arith.constant 0 : i32
        %dma_start3A_186 = arith.constant 0 : i32
        %dma_start3A_187 = tpu.memref_slice %arg2[%select_n3A, %min3A_151, %dma_start3A_185, %dma_start3A_186] : memref<16x64x8x128xi32, #tpu.memory_space<hbm>> -> memref<1x8x8x128xi32, #tpu.memory_space<hbm>>
        tpu.enqueue_dma source(%dma_start3A_187 : memref<1x8x8x128xi32, #tpu.memory_space<hbm>>) target(%dma_start3A_184 : memref<1x8x8x128xi32, #tpu.memory_space<vmem>>) target_semaphore(%arg9 : memref<!tpu.dma_semaphore, #tpu.memory_space<semaphore_mem>>)
      } else {
      }
      %add3A_162 = arith.constant 2 : i32
      %add3A_163 = arith.addi %scan3A_102, %add3A_162 : i32
      %lt3A_164 = arith.constant 4 : i32
      %lt3A_165 = arith.cmpi slt, %add3A_163, %lt3A_164 : i32
      %eq3A_166 = arith.constant 1 : i32
      %eq3A_167 = arith.cmpi eq, %and3A_104, %eq3A_166 : i32
      %and3A_168 = arith.andi %lt3A_165, %eq3A_167 : i1
      %convert_element_type3A_169 = arith.extui %and3A_168 : i1 to i32
      %cond3A_170 = arith.constant 0 : i32
      %cond3A_171 = arith.cmpi ne, %convert_element_type3A_169, %cond3A_170 : i32
      scf.if %cond3A_171 {
        %dma_start3A_172 = arith.constant 1 : i32
        %dma_start3A_173 = arith.constant 0 : i32
        %dma_start3A_174 = arith.constant 0 : i32
        %dma_start3A_175 = arith.constant 0 : i32
        %dma_start3A_176 = tpu.memref_slice %arg6[%dma_start3A_172, %dma_start3A_173, %dma_start3A_174, %dma_start3A_175] : memref<2x8x8x128xi32, #tpu.memory_space<vmem>> -> memref<1x8x8x128xi32, #tpu.memory_space<vmem>>
        %dma_start3A_177 = arith.constant 0 : i32
        %dma_start3A_178 = arith.constant 0 : i32
        %dma_start3A_179 = tpu.memref_slice %arg2[%select_n3A, %min3A_151, %dma_start3A_177, %dma_start3A_178] : memref<16x64x8x128xi32, #tpu.memory_space<hbm>> -> memref<1x8x8x128xi32, #tpu.memory_space<hbm>>
        %dma_start3A_180 = arith.constant 1 : i32
        %dma_start3A_181 = arith.constant 0 : i32
        %dma_start3A_182 = arith.constant 0 : i32
        %dma_start3A_183 = arith.constant 0 : i32
        %dma_start3A_184 = tpu.memref_slice %arg6[%dma_start3A_180, %dma_start3A_181, %dma_start3A_182, %dma_start3A_183] : memref<2x8x8x128xi32, #tpu.memory_space<vmem>> -> memref<1x8x8x128xi32, #tpu.memory_space<vmem>>
        %dma_start3A_185 = arith.constant 0 : i32
        %dma_start3A_186 = arith.constant 0 : i32
        %dma_start3A_187 = tpu.memref_slice %arg2[%select_n3A, %min3A_151, %dma_start3A_185, %dma_start3A_186] : memref<16x64x8x128xi32, #tpu.memory_space<hbm>> -> memref<1x8x8x128xi32, #tpu.memory_space<hbm>>
        tpu.enqueue_dma source(%dma_start3A_187 : memref<1x8x8x128xi32, #tpu.memory_space<hbm>>) target(%dma_start3A_184 : memref<1x8x8x128xi32, #tpu.memory_space<vmem>>) target_semaphore(%arg10 : memref<!tpu.dma_semaphore, #tpu.memory_space<semaphore_mem>>)
      } else {
      }
    }
    %scan3A_70 = arith.constant 4 : i32
    %dma_wait3A = arith.constant 0 : i32
    %dma_wait3A_71 = arith.constant 0 : i32
    %dma_wait3A_72 = arith.constant 0 : i32
    %dma_wait3A_73 = tpu.memref_slice %arg7[%dma_wait3A, %dma_wait3A_71, %dma_wait3A_72] : memref<16x16x128xf32, #tpu.memory_space<vmem>> -> memref<8x16x128xf32, #tpu.memory_space<vmem>>
    %dma_wait3A_74 = arith.constant 0 : i32
    %dma_wait3A_75 = arith.constant 0 : i32
    %dma_wait3A_76 = arith.constant 0 : i32
    %dma_wait3A_77 = tpu.memref_slice %arg4[%dma_wait3A_74, %dma_wait3A_75, %dma_wait3A_76] : memref<128x128x128xf32, #tpu.memory_space<hbm>> -> memref<8x16x128xf32, #tpu.memory_space<hbm>>
    %dma_wait3A_78 = arith.constant 0 : i32
    %dma_wait3A_79 = arith.constant 0 : i32
    %dma_wait3A_80 = arith.constant 0 : i32
    %dma_wait3A_81 = tpu.memref_slice %arg7[%dma_wait3A_78, %dma_wait3A_79, %dma_wait3A_80] : memref<16x16x128xf32, #tpu.memory_space<vmem>> -> memref<8x16x128xf32, #tpu.memory_space<vmem>>
    %dma_wait3A_82 = arith.constant 0 : i32
    %dma_wait3A_83 = arith.constant 0 : i32
    %dma_wait3A_84 = arith.constant 0 : i32
    %dma_wait3A_85 = tpu.memref_slice %arg4[%dma_wait3A_82, %dma_wait3A_83, %dma_wait3A_84] : memref<128x128x128xf32, #tpu.memory_space<hbm>> -> memref<8x16x128xf32, #tpu.memory_space<hbm>>
    tpu.wait_dma2 semaphore(%arg11 : memref<!tpu.dma_semaphore, #tpu.memory_space<semaphore_mem>>) src(%dma_wait3A_85 : memref<8x16x128xf32, #tpu.memory_space<hbm>>) dst(%dma_wait3A_81 : memref<8x16x128xf32, #tpu.memory_space<vmem>>)
    %dma_wait3A_86 = arith.constant 8 : i32
    %dma_wait3A_87 = arith.constant 0 : i32
    %dma_wait3A_88 = arith.constant 0 : i32
    %dma_wait3A_89 = tpu.memref_slice %arg7[%dma_wait3A_86, %dma_wait3A_87, %dma_wait3A_88] : memref<16x16x128xf32, #tpu.memory_space<vmem>> -> memref<8x16x128xf32, #tpu.memory_space<vmem>>
    %dma_wait3A_90 = arith.constant 0 : i32
    %dma_wait3A_91 = arith.constant 0 : i32
    %dma_wait3A_92 = arith.constant 0 : i32
    %dma_wait3A_93 = tpu.memref_slice %arg4[%dma_wait3A_90, %dma_wait3A_91, %dma_wait3A_92] : memref<128x128x128xf32, #tpu.memory_space<hbm>> -> memref<8x16x128xf32, #tpu.memory_space<hbm>>
    %dma_wait3A_94 = arith.constant 8 : i32
    %dma_wait3A_95 = arith.constant 0 : i32
    %dma_wait3A_96 = arith.constant 0 : i32
    %dma_wait3A_97 = tpu.memref_slice %arg7[%dma_wait3A_94, %dma_wait3A_95, %dma_wait3A_96] : memref<16x16x128xf32, #tpu.memory_space<vmem>> -> memref<8x16x128xf32, #tpu.memory_space<vmem>>
    %dma_wait3A_98 = arith.constant 0 : i32
    %dma_wait3A_99 = arith.constant 0 : i32
    %dma_wait3A_100 = arith.constant 0 : i32
    %dma_wait3A_101 = tpu.memref_slice %arg4[%dma_wait3A_98, %dma_wait3A_99, %dma_wait3A_100] : memref<128x128x128xf32, #tpu.memory_space<hbm>> -> memref<8x16x128xf32, #tpu.memory_space<hbm>>
    tpu.wait_dma2 semaphore(%arg12 : memref<!tpu.dma_semaphore, #tpu.memory_space<semaphore_mem>>) src(%dma_wait3A_101 : memref<8x16x128xf32, #tpu.memory_space<hbm>>) dst(%dma_wait3A_97 : memref<8x16x128xf32, #tpu.memory_space<vmem>>)
    return
  }
}

</mosaic_0001>

<sc_bundles>
// kernel: _run.3.cloned.1.call-start
scs
__scs_entry_jumppad:
0x0: {  	(pc) =	sbr.rel $0x88, $3  }
0x1: {  	(tag) =	ssettag $0x0;
	lr =	simm.s32 $0x1  }
0x2: {  	[smem:$0x3F9F] =	sst lr;
	_ =	strace $0xD0000000  }
0x3: {  	_ = 	snop  }
0x4: {  	_ = 	snop  }
0x5: {  	_ = 	snop  }
0x6: {  	_ = 	snop  }
0x7: {  	_ = 	snop  }
__scs_overlays_trampoline_lowered:
0x8: {  	[smem:$0x3FAE] =	sst s0  }
0x9: {  	[smem:$0x3FAF] =	sst s1  }
0xa: {  	[smem:$0x3FB0] =	sst s2  }
0xb: {  	[smem:$0x3FB1] =	sst s3  }
0xc: {  	[smem:$0x3FB2] =	sst s4  }
0xd: {  	[smem:$0x3FB3] =	sst s5  }
0xe: {  	[smem:$0x3FB4] =	sst s6  }
0xf: {  	[smem:$0x3FB5] =	sst s7  }
0x10: {  	[smem:$0x3FB6] =	sst s8  }
0x11: {  	[smem:$0x3FB7] =	sst s9;
	s0 =	simm.s32 @!p0 $0x0  }
0x12: {  	s1 =	sld [smem:$0x3F9D];
	s0 =	simm.s32 @p0 $0x1  }
0x13: {  	[smem:$0x3FB8] =	sst s0;
	s0 =	simm.s32 @!p1 $0x0  }
0x14: {  	s2 =	sld [smem:$0x3F9C];
	s0 =	simm.s32 @p1 $0x1  }
0x15: {  	[smem:$0x3FB9] =	sst s0;
	s0 =	simm.s32 @!p2 $0x0  }
0x16: {  	s3 =	sld [smem:$0x3FDB];
	s0 =	simm.s32 @p2 $0x1  }
0x17: {  	s4 =	simm.s32 $0x1BF5;
	[smem:$0x3FBB] =	sst s0  }
0x18: {  	s0 =	sld [smem:$0x3F9E];
	_ =	swait.ge [sflag:s4], $0x0  }
0x19: {  	s7 =	sld [smem:$0x3F9F]  }
0x1a: {  	s8 =	sadd.s32 $0xFFFFE003, lr  }
0x1b: {  	s9 =	sadd.s32 $0xFFFFFEF7, lr;
	s5 =	simm.s32 $0xFFFFFFFF;
	p2 =	slt.u32 s8, $0xFFFFF086  }
0x1c: {  	p1 =	slt.u32 s9, $0xF7A;
	s5 =	simm.s32 @!p2 $0x0  }
0x1d: {  	s5 =	simm.s32 @p1 $0x1;
	p0 =	seq.s32 s7, s2  }
0x1e: {  	s7 =	smul.u32 @!p0 $0xF7A, s2;
	p2 =	seq.s32 @!p0 s5, $0x0  }
0x1f: {  	s9 =	smul.u32 $0xF7A, s1;
	s8 =	simm.s32 @!p0 $0x1BF5;
	p2 =	por !p2, p0  }
0x20: {  	[sflag:s8] =	ssyncset.s32 @!p0 $0xFFFFF086;
	s6 =	sadd.s32 @!p0 s3, s7;
	s7 =	simm.s32 @!p0 $0x108  }
0x21: {  	s3 =	sadd.s32 s3, s9;
	s6 =	sadd.s32 @!p0 $0x88, s6;
	s7 =	simm.s32 @p2 $0x1082  }
0x22: {  	[simem:s7], [sflag:s8] =	dma.local @!p0 [hbm:s6], $0xF7A  }
0x23: {  	s9 =	sor.u32 $0xD0000000, s2;
	s6 =	simm.s32 $0x108;
	_ =	swait.ge @!p0 [sflag:s8], $0x0  }
0x24: {  	s3 =	sadd.s32 $0x88, s3;
	s6 =	simm.s32 @!p1 $0x1082;
	[sflag:s4] =	ssyncset.s32 $0xFFFFF086  }
0x25: {  	[simem:s6], [sflag:s4] =	dma.local [hbm:s3], $0xF7A  }
0x26: {  	[smem:$0x3F9F] =	sst s1;
	(tag) =	ssettag s2;
	_ =	strace s9  }
0x27: {  	s1 =	sld [smem:$0x3FAF]  }
0x28: {  	s2 =	sld [smem:$0x3FB0]  }
0x29: {  	s4 =	sld [smem:$0x3FB2]  }
0x2a: {  	p0 =	seq.s32 s5, $0x0;
	s5 =	sld [smem:$0x3FB3]  }
0x2b: {  	s6 =	sld [smem:$0x3FB4]  }
0x2c: {  	s7 =	sld [smem:$0x3FB5]  }
0x2d: {  	s3 =	simm.s32 $0x108;
	s8 =	sld [smem:$0x3FB6]  }
0x2e: {  	s3 =	simm.s32 @!p0 $0x1082;
	s9 =	sld [smem:$0x3FB7]  }
0x2f: {  	lr =	sadd.s32 s0, s3;
	s0 =	sld [smem:$0x3FAE]  }
0x30: {  	s3 =	sld [smem:$0x3FB1]  }
0x31: {  	[smem:$0x3FBA] =	sst s10  }
0x32: {  	s10 =	sld [smem:$0x3FB8];
	_ =	sdelay $0x3  }
0x33: {  	p0 =	seq.s32 s10, $0x1;
	s10 =	sld [smem:$0x3FBA];
	_ =	sdelay $0x3  }
0x34: {  	[smem:$0x3FBA] =	sst s10  }
0x35: {  	s10 =	sld [smem:$0x3FB9];
	_ =	sdelay $0x3  }
0x36: {  	p1 =	seq.s32 s10, $0x1;
	s10 =	sld [smem:$0x3FBA];
	_ =	sdelay $0x3  }
0x37: {  	[smem:$0x3FBA] =	sst s10  }
0x38: {  	s10 =	sld [smem:$0x3FBB]  }
0x39: {  	_ = 	snop;
	(pc) =	sbr.ind lr, $3  }
0x3a: {  	_ = 	snop  }
0x3b: {  	_ = 	snop  }
0x3c: {  	p2 =	seq.s32 s10, $0x1;
	s10 =	sld [smem:$0x3FBA]  }
0x3d: {  	_ =	shalt  }
0x3e: {  	_ =	shalt  }
0x3f: {  	_ =	shalt  }
0x40: {  	_ =	shalt  }
0x41: {  	_ =	shalt  }
0x42: {  	_ =	shalt  }
0x43: {  	_ =	shalt  }
0x44: {  	_ =	shalt  }
0x45: {  	_ =	shalt  }
0x46: {  	_ =	shalt  }
0x47: {  	_ =	shalt  }
0x48: {  	_ =	shalt  }
0x49: {  	_ =	shalt  }
0x4a: {  	_ =	shalt  }
0x4b: {  	_ =	shalt  }
0x4c: {  	_ =	shalt  }
0x4d: {  	_ =	shalt  }
0x4e: {  	_ =	shalt  }
0x4f: {  	_ =	shalt  }
0x50: {  	_ =	shalt  }
0x51: {  	_ =	shalt  }
0x52: {  	_ =	shalt  }
0x53: {  	_ =	shalt  }
0x54: {  	_ =	shalt  }
0x55: {  	_ =	shalt  }
0x56: {  	_ =	shalt  }
0x57: {  	_ =	shalt  }
0x58: {  	_ =	shalt  }
0x59: {  	_ =	shalt  }
0x5a: {  	_ =	shalt  }
0x5b: {  	_ =	shalt  }
0x5c: {  	_ =	shalt  }
0x5d: {  	_ =	shalt  }
0x5e: {  	_ =	shalt  }
0x5f: {  	_ =	shalt  }
0x60: {  	_ =	shalt  }
0x61: {  	_ =	shalt  }
0x62: {  	_ =	shalt  }
0x63: {  	_ =	shalt  }
0x64: {  	_ =	shalt  }
0x65: {  	_ =	shalt  }
0x66: {  	_ =	shalt  }
0x67: {  	_ =	shalt  }
0x68: {  	_ =	shalt  }
0x69: {  	_ =	shalt  }
0x6a: {  	_ =	shalt  }
0x6b: {  	_ =	shalt  }
0x6c: {  	_ =	shalt  }
0x6d: {  	_ =	shalt  }
0x6e: {  	_ =	shalt  }
0x6f: {  	_ =	shalt  }
0x70: {  	_ =	shalt  }
0x71: {  	_ =	shalt  }
0x72: {  	_ =	shalt  }
0x73: {  	_ =	shalt  }
0x74: {  	_ =	shalt  }
0x75: {  	_ =	shalt  }
0x76: {  	_ =	shalt  }
0x77: {  	_ =	shalt  }
0x78: {  	_ =	shalt  }
0x79: {  	_ =	shalt  }
0x7a: {  	_ =	shalt  }
0x7b: {  	_ =	shalt  }
0x7c: {  	_ =	shalt  }
0x7d: {  	_ =	shalt  }
0x7e: {  	_ =	shalt  }
0x7f: {  	_ =	shalt  }
0x80: {  	_ =	shalt  }
0x81: {  	_ =	shalt  }
0x82: {  	_ =	shalt  }
0x83: {  	_ =	shalt  }
0x84: {  	_ =	shalt  }
0x85: {  	_ =	shalt  }
0x86: {  	_ =	shalt  }
0x87: {  	_ =	shalt  }
.Lfunc_end0:
.L_simem_size_0:
called_computation_lowered:
.L_overlay_start_0:
0x88: {  	s2 =	sld [smem:$0x3FD9]  }
0x89: {  	s3 =	sld [smem:$0x3FFE];
	_ =	sdelay $0x1  }
0x8a: {  	s1 =	srdreg.scid  }
0x8b: {  	s0 =	sand.u32 $0x1, s1  }
0x8c: {  	s18 =	sshll.u32 s0, $0xA;
	s2 =	sadd.s32 s3, s2  }
0x8d: {  	s2 =	sadd.s32 s2, s18  }
0x8e: {  	[smem:$0x3FC6] =	sst s2  }
0x8f: {  	_ = 	snop  }
0x90: {  	s2 =	sld [smem:$0x3FC9]  }
0x91: {  	s19 =	sld [smem:$0x3FC8]  }
0x92: {  	s4 =	sld [smem:$0x3FD0];
	(tm) =	ssettm $0x1  }
0x93: {  	s5 =	sld [smem:$0x3FFB];
	_ =	sdelay $0x3  }
0x94: {  	_ =	strace s5  }
0x95: {  	s5 =	sld [smem:$0x3FFC];
	_ =	sdelay $0x3  }
0x96: {  	_ =	strace s5  }
0x97: {  	s5 =	sld [smem:$0x3FFD];
	_ =	sdelay $0x3  }
0x98: {  	_ =	strace s5  }
0x99: {  	_ =	strace $0x8FFFFFFF  }
0x9a: {  	s20 =	sld [smem:$0x3FDB];
	_ =	sdelay $0x1  }
0x9b: {  	s6 =	simm.s32 $_scs_section_size  }
0x9c: {  	s7 =	simm.s32 $_size__tile_overlayer_lowered;
	s8 =	simm.s32 $_tile_overlayer_lowered  }
0x9d: {  	s23 =	simm.s32 $0x1BFF;
	s22 =	sshll.u32 s8, $0x1;
	s5 =	sadd.s32 s6, s20  }
0x9e: {  	s9 =	simm.s32 $0x0;
	s21 =	sshll.u32 s7, $0x1;
	s7 =	sadd.s32 s22, s5  }
0x9f: {  	[timem:s9], [sflag:s23] =	dma.local [hbm:s7], s21  }
0xa0: {  	_ =	swait.ge [sflag:s23], s21  }
0xa1: {  	s6 =	ssub.s32 $0x0, s21;
	[sflag:s23] =	ssyncset.done $0x0  }
0xa2: {  	[sflag:s23] =	ssyncadd.s32 s6;
	_ =	sdelay $0x1  }
0xa3: {  	s24 =	simm.s32 $0x1B8B  }
0xa4: {  	_ =	swait.ge [sflag:s24], $0x1  }
0xa5: {  	[sflag:s24] =	ssyncset.done $0x0  }
0xa6: {  	s25 =	simm.s32 $0x1B8E;
	[sflag:s24] =	ssyncadd.s32 $0xFFFFFFFF  }
0xa7: {  	s26 =	simm.s32 $execute0_lowered;
	[smem:$0x3FD2] =	sst s25  }
0xa8: {  	s6 =	sshll.u32 s26, $0x1;
	_ =	strace $0x80000046;
	[dreg:$0x1] =	wrdreg $0xFFFFFFFF  }
0xa9: {  	s28 =	simm.s32 $_size_execute0_lowered;
	s5 =	sadd.s32 s5, s6;
	[dreg:$0x0] =	wrdreg $0x0  }
0xaa: {  	s6 =	sshll.u32 s28, $0x1;
	[dreg:$0x2] =	wrdreg s5  }
0xab: {  	[dreg:$0x3] =	wrdreg s6  }
0xac: {  	[dreg:$0x4] =	wrdreg $0xC0  }
0xad: {  	_ =	task [dreg:s9], $0x5FFFF  }
0xae: {  	[dreg:$0x1] =	wrdreg $0xFFFFFFFF  }
0xaf: {  	[dreg:$0x0] =	wrdreg $0x60  }
0xb0: {  	[dreg:$0x2] =	wrdreg s2  }
0xb1: {  	[dreg:$0x3] =	wrdreg s19  }
0xb2: {  	[dreg:$0x4] =	wrdreg s4  }
0xb3: {  	[dreg:$0x5] =	wrdreg $0x9  }
0xb4: {  	_ =	task.clear_ibuf [dreg:s9], $0x6FFFF;
	_ =	strace $0x90000046  }
0xb5: {  	s29 =	simm.s32 $0x9;
	_ =	strace $0x80000048  }
0xb6: {  	_ =	swait.ge [sflag:s29], $0x1  }
0xb7: {  	[sflag:s29] =	ssyncadd.s32 $0xFFFFFFFF  }
0xb8: {  	_ =	strace $0x90000048  }
0xb9: {  	_ =	sfence  }
0xba: {  	s30 =	sld [smem:$0x0];
	_ =	sdelay $0x2  }
0xbb: {  	s31 =	sshll.u32 s1, $0xD;
	s1 =	sshrl.u32 s1, $0x2  }
0xbc: {  	s3 =	sand.u32 $0x4000, s31;
	s1 =	sadd.s32 s1, s30  }
0xbd: {  	s0 =	sor.u32 s3, s0;
	s1 =	sshll.u32 s1, $0x11  }
0xbe: {  	s0 =	sor.u32 s1, s0  }
0xbf: {  	s0 =	sadd.s32 $0x8F2B, s0  }
0xc0: {  	[sflag:s0] =	ssyncadd.remote.s32 $0x1  }
0xc1: {  	_ =	sfence.sel $0xFFFF  }
0xc2: {  	[dreg:$0x0] =	wrdreg $0xFFFFFFFF;
	(pc) =	sbr.abs _section_cstart, $3  }
0xc3: {  	[dreg:$0x1] =	wrdreg $0xFFFFFFFF  }
0xc4: {  	_ =	task.clear_ibuf [dreg:s9], $0x2FFFF;
	_ =	strace $0x9FFFFFFF  }
0xc5: {  	(tm) =	ssettm $0x7FFFFFFF  }
tec
execute0_lowered:
.L_overlay_start_1:
0x0: {  	(tag) =	ssettag $0x1  }
0x1: {  	s1 =	srdreg.scid  }
0x2: {  	s0 =	stileid.u32;
	s9 =	sand.u32 $0x1, s1  }
0x3: {  	s3 =	rddreg [dreg:$0x1];
	s5 =	simm.s32 $0x1;
	s1 =	sor.u32 s9, s0  }
0x4: {  	s4 =	rddreg [dreg:$0x2];
	p1 =	seq.s32 s9, $0x1;
	p0 =	seq.s32 s1, $0x0  }
0x5: {  	s2 =	rddreg [dreg:$0x3];
	s14 =	simm.s32 $0xA000;
	p0 =	por !p0, !p1  }
0x6: {  	s15 =	simm.s32 $0x4;
	s16 =	simm.s32 $0x5;
	p0 =	por !p0, !p0  }
0x7: {  	s17 =	simm.s32 $0x0;
	s7 =	sshll.u32 s9, $0xF;
	s5 =	simm.s32 @!p0 $0x0  }
0x8: {  	s8 =	ssub.s32 $0x2, s9;
	s9 =	sshll.u32 s9, $0x5;
	s11 =	ssub.s32 s0, s5  }
0x9: {  	s1 =	rddreg [dreg:$0x0];
	s10 =	sshrl.u32 s8, $0x1;
	s6 =	sshll.u32 s11, $0x10  }
0xa: {  	s13 =	ssub.s32 s8, s10;
	s5 =	simm.s32 $0x0;
	s7 =	sor.u32 s7, s6  }
0xb: {  	[smem:$0x7FF] =	sst s5;
	s11 =	sshll.u32 s11, $0x11;
	s12 =	sshrl.u32 s7, $0x3  }
0xc: {  	_ =	strace $0x80000047;
	s7 =	simm.s32 $0x1;
	s8 =	sadd.s32 s1, s12  }
0xd: {  	s12 =	smax.u32 s13, $0x1;
	s13 =	simm.s32 $0x8000;
	s10 =	sadd.s32 $0x400, s8  }
.LBB2_1:
0xe: {  	[tilespmem:s5], [sflag:$0x1] =	stream.linear.gather [hbm4b:s3+s5], $0x8000, $0x38;
	[tilespmem:$0x14000] =	vst v63  }
0xf: {  	_ = 	snop  }
0x10: {  	[tilespmem:s13], [sflag:$0x2] =	stream.linear.gather [hbm4b:s8+s5], $0x2000, $0x38;
	[tilespmem:$0x14000] =	vst v63  }
0x11: {  	_ = 	snop  }
0x12: {  	[tilespmem:s14], [sflag:$0x3] =	stream.linear.gather [hbm4b:s10+s5], $0x2000, $0x38;
	[tilespmem:$0x14000] =	vst v63  }
0x13: {  	_ =	swait.ge [sflag:s7], $0x8000  }
0x14: {  	[sflag:s7] =	ssyncset.done $0x0  }
0x15: {  	s18 =	simm.s32 $0x0;
	[sflag:s7] =	ssyncadd.s32 $0xFFFF8000  }
.LBB2_2:
0x16: {  	s19 =	sand.u32 $0x1, s18  }
0x17: {  	p0 =	seq.s32 s19, $0x1  }
0x18: {  	s20 =	simm.s32 @!p0 $0x2  }
0x19: {  	_ =	swait.ge @!p0 [sflag:s20], $0x2000  }
0x1a: {  	p1 =	seq.s32 s19, $0x0;
	[sflag:s20] =	ssyncset.done @!p0 $0x0  }
0x1b: {  	p2 =	slt.u32 s18, $0x2;
	[sflag:s20] =	ssyncadd.s32 @!p0 $0xFFFFE000;
	s20 =	simm.s32 @!p1 $0x3  }
0x1c: {  	p3 =	sne.s32 @!p2 s19, $0x0;
	_ =	swait.ge @!p1 [sflag:s20], $0x2000  }
0x1d: {  	p3 =	por p3, p2;
	[sflag:s20] =	ssyncset.done @!p1 $0x0  }
0x1e: {  	s22 =	simm.s32 $0x0;
	[sflag:s20] =	ssyncadd.s32 @!p1 $0xFFFFE000;
	s20 =	simm.s32 @!p3 $0x4  }
0x1f: {  	s23 =	simm.s32 $0x0;
	p6 =	por !p0, !p0;
	_ =	swait.ge @!p3 [sflag:s20], $0x4000  }
0x20: {  	s31 =	sshll.u32 s19, $0xD;
	p1 =	por p2, p6;
	[sflag:s20] =	ssyncset.done @!p3 $0x0  }
0x21: {  	s22 =	sand.u32 $0x7, s22;
	s21 =	simm.s32 @!p1 $0x5;
	[sflag:s20] =	ssyncadd.s32 @!p3 $0xFFFFC000  }
0x22: {  	s23 =	sand.u32 $0x3FFFFC00, s23;
	s20 =	sor.u32 $0x8000, s31;
	_ =	swait.ge @!p1 [sflag:s21], $0x4000  }
0x23: {  	s24 =	sshll.u32 s22, $0x7;
	s23 =	sadd.s32 s23, s20;
	[sflag:s21] =	ssyncset.done @!p1 $0x0  }
0x24: {  	s23 =	sadd.s32 s24, s23;
	[sflag:s21] =	ssyncadd.s32 @!p1 $0xFFFFC000  }
0x25: {  	v0 =	vld [tilespmem:s23+$0x70]  }
0x26: {  	v1 =	vld [tilespmem:s23+$0x0]  }
0x27: {  	v2 =	vld [tilespmem:s23+$0x10]  }
0x28: {  	v4 =	vld [tilespmem:s23+$0x20]  }
0x29: {  	v5 =	vld [tilespmem:s23+$0x30];
	_ =	sdelay $0x1  }
0x2a: {  	v8 =	vld [tilespmem:s23+$0x50];
	v7 =	vand.u32 $0xFFFFFF80, v1  }
0x2b: {  	v9 =	vand.u32 $0xFFFFFF80, v2;
	v7 =	vadd.s32 v1, v7  }
0x2c: {  	v3 =	vand.u32 $0xFFFFFF80, v0;
	v10 =	vand.u32 $0xFFFFFF80, v4;
	v9 =	vadd.s32 v2, v9  }
0x2d: {  	v11 =	vand.u32 $0xFFFFFF80, v5;
	v3 =	vadd.s32 v0, v3;
	v10 =	vadd.s32 v4, v10  }
0x2e: {  	v12 =	vld [tilespmem:s23+$0x60];
	v0 =	vand.u32 $0x7F, v0;
	v11 =	vadd.s32 v5, v11;
	v6 =	vand.u32 $0xFFFFFF00, v3  }
0x2f: {  	v14 =	vand.u32 $0xFFFFFF80, v8;
	v0 =	vor.u32 v6, v0;
	v6 =	vld [tilespmem:s23+$0x40]  }
0x30: {  	v14 =	vadd.s32 v8, v14;
	v15 =	vld.idx.msk [tilespmem:v7+s5+$0x0], $0xffff  }
0x31: {  	v16 =	vld.idx.msk [tilespmem:v9+s5+$0x0], $0xffff  }
0x32: {  	s24 =	simm.s32 $0x80;
	s21 =	simm.s32 $0x1;
	v17 =	vld.idx.msk [tilespmem:v10+s5+$0x0], $0xffff  }
0x33: {  	s25 =	sand.u32 $0x7, s21;
	v19 =	vand.u32 $0xFFFFFF80, v12;
	s23 =	sand.u32 $0x3FFFFC00, s24;
	v18 =	vld.idx.msk [tilespmem:v11+s5+$0x0], $0xffff  }
0x34: {  	s26 =	sshll.u32 s25, $0x7;
	v1 =	vand.u32 $0x7F, v1;
	v19 =	vadd.s32 v12, v19;
	v2 =	vand.u32 $0x7F, v2;
	s23 =	sadd.s32 s23, s20;
	v3 =	vld.idx.msk [tilespmem:v3+s5+$0x0], $0xffff  }
0x35: {  	v4 =	vand.u32 $0x7F, v4;
	v5 =	vand.u32 $0x7F, v5;
	v21 =	vand.u32 $0xFFFFFF00, v14;
	s24 =	sadd.s32 s26, s23;
	v14 =	vld.idx.msk [tilespmem:v14+s5+$0x0], $0xffff  }
0x36: {  	v8 =	vand.u32 $0x7F, v8;
	v12 =	vand.u32 $0x7F, v12;
	v0 =	vor.u32 $0x80, v0;
	v23 =	vld [tilespmem:s24+$0x70]  }
0x37: {  	v22 =	vand.u32 $0xFFFFFF00, v19;
	v7 =	vand.u32 $0xFFFFFF00, v7;
	v9 =	vand.u32 $0xFFFFFF00, v9;
	v24 =	vld [tilespmem:s24+$0x0]  }
0x38: {  	v10 =	vand.u32 $0xFFFFFF00, v10;
	v1 =	vor.u32 v7, v1;
	v7 =	vld [tilespmem:s24+$0x10];
	v13 =	vand.u32 $0xFFFFFF80, v6  }
0x39: {  	s29 =	sshll.u32 s19, $0xE;
	v11 =	vand.u32 $0xFFFFFF00, v11;
	v25 =	vld [tilespmem:s24+$0x20];
	v2 =	vor.u32 v9, v2;
	v13 =	vadd.s32 v6, v13  }
0x3a: {  	s22 =	sshll.u32 s22, $0xB;
	s23 =	sadd.s32 $0xC000, s29;
	s26 =	simm.s32 $0x0;
	v26 =	vld [tilespmem:s24+$0x50];
	v4 =	vor.u32 v10, v4;
	v5 =	vor.u32 v11, v5;
	v9 =	vor.u32 $0x80, v1  }
0x3b: {  	s22 =	sadd.s32 s22, s23;
	s26 =	sand.u32 $0x3FFFFF00, s26;
	v1 =	vor.u32 v21, v8;
	v2 =	vor.u32 $0x80, v2;
	v8 =	vor.u32 v22, v12;
	v0 =	vld.idx.msk [tilespmem:v0+s5+$0x0], $0xffff  }
0x3c: {  	v28 =	vld [tilespmem:s24+$0x60];
	s22 =	sadd.s32 s26, s22;
	v4 =	vor.u32 $0x80, v4;
	v5 =	vor.u32 $0x80, v5;
	v6 =	vand.u32 $0x7F, v6  }
0x3d: {  	v21 =	vld [tilespmem:s24+$0x40];
	v22 =	vor.u32 $0x80, v8;
	v27 =	vand.u32 $0x7F, v24;
	[tilespmem:s22+$0x70] =	vst v3;
	v3 =	vand.u32 $0xFFFFFF80, v7  }
0x3e: {  	v8 =	vand.u32 $0x7F, v23;
	v62 =	vadd.s32 v7, v3;
	v20 =	vld.idx.msk [tilespmem:v13+s5+$0x0], $0xffff;
	v13 =	vand.u32 $0xFFFFFF00, v13  }
0x3f: {  	v12 =	vld [tilespmem:s24+$0x30];
	v6 =	vor.u32 v13, v6;
	v13 =	vor.u32 $0x80, v1;
	v1 =	vand.u32 $0xFFFFFF80, v23  }
0x40: {  	v9 =	vld.idx.msk [tilespmem:v9+s5+$0x0], $0xffff;
	[tilespmem:s22+$0xF0] =	vst v0;
	v0 =	vand.u32 $0xFFFFFF80, v24;
	v10 =	vor.u32 $0x80, v6;
	v1 =	vadd.s32 v23, v1  }
0x41: {  	[tilespmem:s22+$0x0] =	vst v15;
	v15 =	vld.idx.msk [tilespmem:v2+s5+$0x0], $0xffff;
	v23 =	vadd.s32 v24, v0;
	v0 =	vand.u32 $0xFFFFFF80, v25;
	v6 =	vand.u32 $0xFFFFFF00, v1  }
0x42: {  	[tilespmem:s22+$0x10] =	vst v16;
	v16 =	vld.idx.msk [tilespmem:v4+s5+$0x0], $0xffff;
	v30 =	vadd.s32 v25, v0;
	v0 =	vand.u32 $0xFFFFFF80, v21;
	v6 =	vor.u32 v6, v8  }
0x43: {  	v11 =	vld.idx.msk [tilespmem:v5+s5+$0x0], $0xffff;
	v3 =	vadd.s32 v21, v0;
	v0 =	vand.u32 $0xFFFFFF80, v26;
	v29 =	vor.u32 $0x80, v6  }
0x44: {  	v2 =	vand.u32 $0xFFFFFF80, v12;
	[tilespmem:s22+$0x20] =	vst v17;
	v63 =	vand.u32 $0x7F, v12;
	v4 =	vadd.s32 v26, v0;
	v0 =	vld.idx.msk [tilespmem:v19+s5+$0x0], $0xffff  }
0x45: {  	v31 =	vand.u32 $0xFFFFFF00, v62;
	v17 =	vand.u32 $0xFFFFFF00, v23;
	[tilespmem:s22+$0x80] =	vst v9;
	v6 =	vadd.s32 v12, v2;
	v12 =	vld.idx.msk [tilespmem:v22+s5+$0x0], $0xffff  }
0x46: {  	v25 =	vand.u32 $0x7F, v25;
	v9 =	vand.u32 $0x7F, v7;
	[tilespmem:s22+$0x90] =	vst v15;
	v15 =	vand.u32 $0x7F, v28;
	v8 =	vld.idx.msk [tilespmem:v10+s5+$0x0], $0xffff  }
0x47: {  	[tilespmem:s22+$0x30] =	vst v18;
	v18 =	vor.u32 v17, v27;
	v2 =	vand.u32 $0xFFFFFF80, v28;
	v19 =	vand.u32 $0xFFFFFF00, v30;
	v10 =	vld.idx.msk [tilespmem:v13+s5+$0x0], $0xffff  }
0x48: {  	v32 =	vand.u32 $0xFFFFFF00, v3;
	v22 =	vand.u32 $0x7F, v21;
	v21 =	vor.u32 v31, v9;
	[tilespmem:s22+$0x50] =	vst v14;
	v14 =	vld.idx.msk [tilespmem:v29+s5+$0x0], $0xffff  }
0x49: {  	s28 =	simm.s32 $0x20;
	v7 =	vld.idx.msk [tilespmem:v62+s5+$0x0], $0xffff;
	v2 =	vadd.s32 v28, v2;
	v33 =	vand.u32 $0xFFFFFF00, v4;
	v17 =	vor.u32 v19, v25  }
0x4a: {  	s30 =	sshll.u32 s18, $0x3;
	s28 =	sand.u32 $0x3FFFFF00, s28;
	s31 =	sshll.u32 s25, $0xB;
	v19 =	vor.u32 v32, v22;
	[tilespmem:s22+$0x40] =	vst v20;
	v20 =	vand.u32 $0xFFFFFF00, v6;
	v5 =	vld.idx.msk [tilespmem:v23+s5+$0x0], $0xffff;
	v23 =	vand.u32 $0x7F, v26  }
0x4b: {  	s25 =	simm.s32 $0x8;
	s26 =	sadd.s32 s31, s23;
	s24 =	sadd.s32 s9, s30;
	[tilespmem:s22+$0xA0] =	vst v16;
	v13 =	vand.u32 $0xFFFFFF00, v2;
	v9 =	vld.idx.msk [tilespmem:v30+s5+$0x0], $0xffff;
	v20 =	vor.u32 v20, v63;
	v16 =	vor.u32 v33, v23  }
.LBB2_3:
0x4c: {  	s25 =	sadd.s32 $0x8, s25;
	v18 =	vor.u32 $0x80, v18;
	s28 =	sadd.s32 s28, s26;
	v21 =	vor.u32 $0x80, v21;
	v22 =	vld.idx.msk [tilespmem:v6+s5+$0x0], $0xffff;
	v6 =	vor.u32 v13, v15;
	[tilespmem:s22+$0xB0] =	vst v11  }
0x4d: {  	v11 =	vor.u32 $0x80, v17;
	v13 =	vor.u32 $0x80, v20;
	v15 =	vor.u32 $0x80, v19;
	s21 =	sadd.s32 $0x1, s21;
	s29 =	sshll.u32 s25, $0x4;
	p1 =	slt.u32 s25, $0x1F8;
	v1 =	vld.idx.msk [tilespmem:v1+s5+$0x0], $0xffff;
	[tilespmem:s28+$0xF0] =	vst v14  }
0x4e: {  	v16 =	vor.u32 $0x80, v16;
	s26 =	sand.u32 $0x7, s21;
	v17 =	vor.u32 $0x80, v6;
	s29 =	sand.u32 $0x3FFFFC00, s29;
	v14 =	vld.idx.msk [tilespmem:v3+s5+$0x0], $0xffff;
	[tilespmem:s22+$0xC0] =	vst v8  }
0x4f: {  	s30 =	sshll.u32 s26, $0x7;
	s29 =	sadd.s32 s29, s20;
	v19 =	vld.idx.msk [tilespmem:v4+s5+$0x0], $0xffff;
	[tilespmem:s22+$0xD0] =	vst v10  }
0x50: {  	s29 =	sadd.s32 s30, s29;
	v2 =	vld.idx.msk [tilespmem:v2+s5+$0x0], $0xffff;
	[tilespmem:s22+$0xE0] =	vst v12  }
0x51: {  	v3 =	vld [tilespmem:s29+$0x70];
	[tilespmem:s22+$0x60] =	vst v0;
	s22 =	smov.u32 s28  }
0x52: {  	v4 =	vld [tilespmem:s29+$0x0]  }
0x53: {  	v12 =	vld [tilespmem:s29+$0x10];
	[tilespmem:s22+$0x70] =	vst v1  }
0x54: {  	v20 =	vld [tilespmem:s29+$0x20]  }
0x55: {  	v23 =	vld [tilespmem:s29+$0x30]  }
0x56: {  	v0 =	vmov v2;
	v24 =	vld [tilespmem:s29+$0x40];
	v1 =	vand.u32 $0xFFFFFF80, v3  }
0x57: {  	v2 =	vand.u32 $0xFFFFFF80, v4;
	v25 =	vand.u32 $0x7F, v4;
	v26 =	vld [tilespmem:s29+$0x50];
	v1 =	vadd.s32 v3, v1  }
0x58: {  	v3 =	vand.u32 $0x7F, v3;
	v6 =	vand.u32 $0xFFFFFF80, v12;
	v27 =	vld [tilespmem:s29+$0x60];
	v8 =	vand.u32 $0xFFFFFF00, v1  }
0x59: {  	v28 =	vadd.s32 v4, v2;
	v2 =	vand.u32 $0xFFFFFF80, v20;
	v3 =	vor.u32 v8, v3;
	v18 =	vld.idx.msk [tilespmem:v18+s5+$0x0], $0xffff;
	[tilespmem:s22+$0x0] =	vst v5  }
0x5a: {  	v29 =	vadd.s32 v12, v6;
	v4 =	vand.u32 $0xFFFFFF80, v23;
	v5 =	vor.u32 $0x80, v3;
	v21 =	vld.idx.msk [tilespmem:v21+s5+$0x0], $0xffff;
	[tilespmem:s22+$0x10] =	vst v7  }
0x5b: {  	v30 =	vadd.s32 v20, v2;
	v6 =	vadd.s32 v23, v4;
	v2 =	vand.u32 $0xFFFFFF80, v24;
	v7 =	vld.idx.msk [tilespmem:v11+s5+$0x0], $0xffff;
	[tilespmem:s22+$0x20] =	vst v9  }
0x5c: {  	v9 =	vand.u32 $0xFFFFFF00, v28;
	v3 =	vadd.s32 v24, v2;
	v2 =	vand.u32 $0xFFFFFF80, v26;
	v11 =	vld.idx.msk [tilespmem:v13+s5+$0x0], $0xffff;
	[tilespmem:s22+$0x30] =	vst v22  }
0x5d: {  	v22 =	vand.u32 $0xFFFFFF00, v29;
	v4 =	vadd.s32 v26, v2;
	v2 =	vand.u32 $0xFFFFFF80, v27;
	v8 =	vld.idx.msk [tilespmem:v15+s5+$0x0], $0xffff;
	[tilespmem:s22+$0x40] =	vst v14  }
0x5e: {  	v31 =	vand.u32 $0xFFFFFF00, v30;
	v32 =	vand.u32 $0xFFFFFF00, v6;
	v2 =	vadd.s32 v27, v2;
	v10 =	vld.idx.msk [tilespmem:v16+s5+$0x0], $0xffff;
	[tilespmem:s22+$0x50] =	vst v19  }
.Ltmp0:
0x5f: {  	v16 =	vand.u32 $0xFFFFFF00, v3;
	v33 =	vand.u32 $0xFFFFFF00, v4;
	v13 =	vand.u32 $0xFFFFFF00, v2;
	v14 =	vld.idx.msk [tilespmem:v5+s5+$0x0], $0xffff;
	[tilespmem:s22+$0x80] =	vst v18;
	(pc) =	sbr.rel @p1 .LBB2_3-.Ltmp0, $4  }
0x60: {  	v20 =	vand.u32 $0x7F, v20;
	v23 =	vand.u32 $0x7F, v23;
	v19 =	vand.u32 $0x7F, v12;
	[tilespmem:s22+$0x90] =	vst v21;
	v12 =	vld.idx.msk [tilespmem:v17+s5+$0x0], $0xffff  }
0x61: {  	v24 =	vand.u32 $0x7F, v24;
	v26 =	vand.u32 $0x7F, v26;
	v15 =	vand.u32 $0x7F, v27;
	v5 =	vld.idx.msk [tilespmem:v28+s5+$0x0], $0xffff;
	[tilespmem:s22+$0xA0] =	vst v7  }
0x62: {  	s26 =	sshll.u32 s26, $0xB;
	s28 =	sshll.u32 s25, $0x2;
	v18 =	vor.u32 v9, v25;
	v21 =	vor.u32 v22, v19;
	v17 =	vor.u32 v31, v20;
	v7 =	vld.idx.msk [tilespmem:v29+s5+$0x0], $0xffff  }
0x63: {  	s26 =	sadd.s32 s26, s23;
	s28 =	sand.u32 $0x3FFFFF00, s28;
	v20 =	vor.u32 v32, v23;
	v19 =	vor.u32 v16, v24;
	v16 =	vor.u32 v33, v26;
	v9 =	vld.idx.msk [tilespmem:v30+s5+$0x0], $0xffff  }
0x64: {  	_ =	sdelay $0x2  }
0x65: {  	[tilespmem:s22+$0xB0] =	vst v11  }
0x66: {  	v1 =	vld.idx.msk [tilespmem:v1+s5+$0x0], $0xffff;
	[tilespmem:s22+$0xC0] =	vst v8  }
0x67: {  	v50 =	vor.u32 $0x80, v18;
	[tilespmem:s22+$0xD0] =	vst v10  }
0x68: {  	s20 =	sadd.s32 s28, s26;
	v51 =	vor.u32 $0x80, v21;
	v6 =	vld.idx.msk [tilespmem:v6+s5+$0x0], $0xffff;
	[tilespmem:s22+$0x60] =	vst v0  }
0x69: {  	v52 =	vor.u32 $0x80, v17;
	v3 =	vld.idx.msk [tilespmem:v3+s5+$0x0], $0xffff;
	[tilespmem:s20+$0xF0] =	vst v14  }
0x6a: {  	v53 =	vor.u32 $0x80, v20;
	v4 =	vld.idx.msk [tilespmem:v4+s5+$0x0], $0xffff;
	[tilespmem:s22+$0xE0] =	vst v12  }
0x6b: {  	v54 =	vor.u32 $0x80, v19;
	v2 =	vld.idx.msk [tilespmem:v2+s5+$0x0], $0xffff;
	[tilespmem:s20+$0x70] =	vst v1  }
0x6c: {  	v55 =	vor.u32 $0x80, v16;
	v58 =	vor.u32 v13, v15;
	v56 =	vld.idx.msk [tilespmem:v50+s5+$0x0], $0xffff;
	[tilespmem:s20+$0x0] =	vst v5  }
0x6d: {  	v60 =	vor.u32 $0x80, v58;
	v57 =	vld.idx.msk [tilespmem:v51+s5+$0x0], $0xffff;
	[tilespmem:s20+$0x10] =	vst v7  }
0x6e: {  	v59 =	vld.idx.msk [tilespmem:v52+s5+$0x0], $0xffff;
	[tilespmem:s20+$0x20] =	vst v9  }
0x6f: {  	v61 =	vld.idx.msk [tilespmem:v53+s5+$0x0], $0xffff;
	[tilespmem:s20+$0x30] =	vst v6  }
0x70: {  	v62 =	vld.idx.msk [tilespmem:v54+s5+$0x0], $0xffff;
	[tilespmem:s20+$0x40] =	vst v3  }
0x71: {  	v0 =	vld.idx.msk [tilespmem:v55+s5+$0x0], $0xffff;
	[tilespmem:s20+$0x50] =	vst v4  }
0x72: {  	v63 =	vld.idx.msk [tilespmem:v60+s5+$0x0], $0xffff;
	[tilespmem:s20+$0x60] =	vst v2  }
0x73: {  	[tilespmem:s20+$0x80] =	vst v56  }
0x74: {  	[tilespmem:s20+$0x90] =	vst v57  }
0x75: {  	p1 =	sne.s32 s19, $0x0;
	[tilespmem:s20+$0xA0] =	vst v59  }
0x76: {  	s19 =	sshll.u32 @!p1 s24, $0x8;
	[tilespmem:s20+$0xB0] =	vst v61  }
0x77: {  	s19 =	sadd.s32 @!p1 s11, s19;
	[tilespmem:s20+$0xC0] =	vst v62  }
0x78: {  	s21 =	simm.s32 @!p1 $0x4000;
	s19 =	sshrl.u32 @!p1 s19, $0x3;
	[tilespmem:s20+$0xD0] =	vst v0  }
0x79: {  	s22 =	simm.s32 @!p1 $0xC000;
	s19 =	sadd.s32 @!p1 s4, s19;
	[tilespmem:s20+$0xE0] =	vst v63;
	s20 =	simm.s32 @!p1 $0x800  }
0x7a: {  	[hbm4b:s19+s20] =	stream.strided.scatter @!p1 [tilespmem:s22], [sflag:$0x4], $0x4000, s21, s20, $0x38;
	[tilespmem:$0x14000] =	vst v63  }
0x7b: {  	s19 =	sshll.u32 @p0 s24, $0x8  }
0x7c: {  	s19 =	sadd.s32 @p0 s11, s19  }
0x7d: {  	s31 =	smin.u32 s24, $0x28;
	s20 =	simm.s32 @p0 $0x800;
	s19 =	sshrl.u32 @p0 s19, $0x3  }
0x7e: {  	s21 =	simm.s32 @p0 $0x4000;
	s22 =	simm.s32 @p0 $0x10000;
	s19 =	sadd.s32 @p0 s4, s19  }
0x7f: {  	[hbm4b:s19+s20] =	stream.strided.scatter @p0 [tilespmem:s22], [sflag:$0x5], $0x4000, s21, s20, $0x38;
	[tilespmem:$0x14000] =	vst v63  }
0x80: {  	s19 =	sadd.s32 $0x10, s31;
	p0 =	seq.s32 s18, $0x1  }
0x81: {  	s20 =	sshll.u32 @p0 s19, $0xA  }
0x82: {  	s20 =	sadd.s32 @p0 s6, s20  }
0x83: {  	s21 =	simm.s32 @p0 $0x0;
	s20 =	sshrl.u32 @p0 s20, $0x3  }
0x84: {  	s22 =	simm.s32 @p0 $0xA000;
	p1 =	sne.s32 @!p0 s18, $0x0;
	s20 =	sadd.s32 @p0 s1, s20  }
0x85: {  	[tilespmem:s22], [sflag:$0x3] =	stream.linear.gather @p0 [hbm4b:s20+s21], $0x2000, $0x38;
	[tilespmem:$0x14000] =	vst v63  }
0x86: {  	p0 =	por p1, p0  }
0x87: {  	s19 =	sshll.u32 @!p0 s19, $0xA  }
0x88: {  	s19 =	sadd.s32 @!p0 s6, s19  }
0x89: {  	s18 =	sadd.s32 $0x1, s18;
	s19 =	sshrl.u32 @!p0 s19, $0x3  }
0x8a: {  	s20 =	simm.s32 @!p0 $0x0;
	s21 =	simm.s32 @!p0 $0x8000;
	s19 =	sadd.s32 @!p0 s1, s19  }
0x8b: {  	[tilespmem:s21], [sflag:$0x2] =	stream.linear.gather @!p0 [hbm4b:s19+s20], $0x2000, $0x38;
	[tilespmem:$0x14000] =	vst v63  }
0x8c: {  	p0 =	sne.s32 s18, $0x4  }
.Ltmp1:
0x8d: {  	_ = 	snop;
	(pc) =	sbr.rel @p0 .LBB2_2-.Ltmp1, $1  }
0x8e: {  	_ =	sdelay $0x3  }
0x8f: {  	s17 =	sadd.s32 $0x1, s17  }
0x90: {  	_ =	swait.ge [sflag:s15], $0x4000;
	p0 =	sne.s32 s17, s12  }
.Ltmp2:
0x91: {  	[sflag:s15] =	ssyncset.done $0x0;
	(pc) =	sbr.rel @p0 .LBB2_1-.Ltmp2, $4  }
0x92: {  	[sflag:s15] =	ssyncadd.s32 $0xFFFFC000  }
0x93: {  	_ =	swait.ge [sflag:s16], $0x4000  }
0x94: {  	[sflag:s16] =	ssyncset.done $0x0  }
0x95: {  	[sflag:s16] =	ssyncadd.s32 $0xFFFFC000  }
0x96: {  	_ =	sfence.sel $0x180000  }
0x97: {  	[bflag:$0x0] =	sbarrier.arrive $0xFFFF  }
0x98: {  	p0 =	sne.s32 s0, $0x0;
	_ =	strace $0x90000047  }
0x99: {  	s0 =	sadd.s32 @!p0 $0x100000, s2;
	[bflag:$0x2] =	sbarrier.arrive $0xFFFF  }
0x9a: {  	[sflag:s0] =	ssyncadd.tile.s32 @!p0 $0x1;
	_ =	shalt  }
.Lfunc_end2:
_tile_overlayer_lowered:
.L_overlay_start_2:
0x9b: {  	(tag) =	ssettag $0x2  }
0x9c: {  	s0 =	rddreg [dreg:$0x0];
	s2 =	stileid.u32  }
0x9d: {  	s1 =	rddreg [dreg:$0x1];
	p0 =	sne.s32 s2, $0x0  }
0x9e: {  	s3 =	rddreg [dreg:$0x2];
	[bflag:$0x3] =	sbarrier.arrive $0xFFFF;
	s2 =	simm.s32 @!p0 $0x1C06  }
0x9f: {  	[timem:s3], [sflag:s2] =	dma.local @!p0 [hbm:s0], s1  }
0xa0: {  	s0 =	simm.s32 @!p0 $0x6  }
0xa1: {  	_ =	swait.ge @!p0 [sflag:s0], s1  }
0xa2: {  	s1 =	ssub.s32 @!p0 $0x0, s1;
	[sflag:s0] =	ssyncset.done @!p0 $0x0  }
0xa3: {  	[sflag:s0] =	ssyncadd.s32 @!p0 s1  }
0xa4: {  	[bflag:$0x3] =	sbarrier.arrive $0xFFFF  }
0xa5: {  	_ =	shalt  }

</sc_bundles>
